<compile_context>
chip_gen: v7x
topology: tpu7x:2x2x1
jax: 0.10.2.dev20260603
libtpu: 0.0.44.dev20260713+nightly
codegen_flags: <defaults>
</compile_context>

<pallas_src>
import functools
import jax
import jax.numpy as jnp
from jax import lax
from jax.experimental import pallas as pl
from jax.experimental.pallas import tpu as pltpu
from jax.experimental.pallas import tpu_sc as plsc


@functools.cache
def _make_sc_broadcast(batch, f, g2, dtype):
    info = plsc.get_sparse_core_info()
    nw = info.num_cores * info.num_subcores
    rows = f // nw
    mesh = plsc.VectorSubcoreMesh(core_axis_name="c", subcore_axis_name="s")

    @functools.partial(
        pl.kernel,
        out_type=jax.ShapeDtypeStruct((batch, f, g2), dtype),
        mesh=mesh,
        scratch_types=[
            pltpu.VMEM((rows, g2), dtype),
            pltpu.SemaphoreType.DMA,
        ],
    )
    def broadcast(table_hbm, out_hbm, buf, sem):
        wid = lax.axis_index("s") * info.num_cores + lax.axis_index("c")
        base = wid * rows
        pltpu.sync_copy(table_hbm.at[pl.ds(base, rows)], buf)
        for b in range(batch):
            pltpu.async_copy(buf, out_hbm.at[b, pl.ds(base, rows)], sem)
        for b in range(batch):
            pltpu.make_async_copy(buf, out_hbm.at[b, pl.ds(base, rows)], sem).wait()

    return broadcast


def kernel(x, grid_embedding):
    batch = x.shape[0]
    g2, f = grid_embedding.shape
    emb_t = grid_embedding.T
    out_t = _make_sc_broadcast(batch, f, g2, grid_embedding.dtype)(emb_t)
    return jnp.transpose(out_t, (0, 2, 1))

# --- scband reference (transcript-rebuilt; emitter-appended) ---
"""Pipeline reference for scband-grid-module-18605798326528 (READ-ONLY COPY).

The authoritative reference and input builder live on the scoring server;
editing this copy changes nothing except your own understanding.
"""

import jax, jax.numpy as jnp
import numpy as np

GRID_SIZE = 128
FEATURE_SIZE = 64
BATCH = 16
FMS = 32

def setup_inputs(seed: int = 0) -> dict:
    key = jax.random.key(seed)
    k1, k2 = jax.random.split(key)
    x = jax.random.normal(k1, (BATCH, FEATURE_SIZE, FMS, FMS), dtype=jnp.float32)
    grid_embedding = jax.random.normal(k2, (GRID_SIZE ** 2, FEATURE_SIZE), dtype=jnp.float32) * (1.0 / np.sqrt(FEATURE_SIZE))
    return {"x": x, "grid_embedding": grid_embedding}

def reference(x, grid_embedding):
    # Faithful to the effective computation of GridModule.forward:
    # the interpolation branch's result is overwritten by the embedding lookup
    # (x = self.grid_embedding(arange(grid_size**2))), so the output depends
    # only on the embedding table and batch size.
    batch_size = x.shape[0]
    g2 = GRID_SIZE ** 2
    idx = jnp.arange(0, g2, dtype=jnp.int32)
    emb = jnp.take(grid_embedding, idx, axis=0)          # [g2, feature_size] gather
    emb = emb.reshape(1, g2, FEATURE_SIZE)
    out = jnp.tile(emb, (batch_size, 1, 1))              # repeat(batch, 1, 1)
    return out

if __name__ == "__main__":
    import jax
    _d = setup_inputs()
    print(jax.jit(kernel)(*tuple(_d.values())))

</pallas_src>

<mosaic_0001>
#map = affine_map<(d0, d1) -> (0, 0)>
#map1 = affine_map<(d0, d1) -> (0, 0, 0)>
module attributes {stable_mosaic.version = 14 : i64} {
  func.func @broadcast(%arg0: i32, %arg1: i32, %arg2: memref<64x16384xf32, #tpu.memory_space<hbm>>, %arg3: memref<16x64x16384xf32, #tpu.memory_space<hbm>>, %arg4: memref<2x16384xf32, #tpu.memory_space<vmem>>, %arg5: memref<!tpu.dma_semaphore, #tpu.memory_space<semaphore_mem>>) attributes {dimension_semantics = [#tpu.dimension_semantics<core_parallel>, #tpu.dimension_semantics<subcore_parallel>], iteration_bounds = array<i64: 2, 16>, scalar_prefetch = 0 : i64, scratch_operands = 2 : i64, tpu.core_type = #tpu.core_type<sc_vector_subcore>, window_params = [{transform_indices = #map}, {transform_indices = #map1}]} {
    %mul3A = arith.constant 2 : i32
    %mul3A_0 = arith.muli %arg1, %mul3A : i32
    %add3A = arith.addi %mul3A_0, %arg0 : i32
    %mul3A_1 = arith.constant 2 : i32
    %mul3A_2 = arith.muli %add3A, %mul3A_1 : i32
    "tpu.region"() ({
      %run_scoped3A = tpu.sem_alloc : memref<!tpu.dma_semaphore, #tpu.memory_space<semaphore_mem>>
      %dma_start3A_225 = arith.constant 0 : i32
      %dma_start3A_226 = tpu.memref_slice %arg2[%mul3A_2, %dma_start3A_225] : memref<64x16384xf32, #tpu.memory_space<hbm>> -> memref<2x16384xf32, #tpu.memory_space<hbm>>
      %dma_start3A_227 = arith.constant 0 : i32
      %dma_start3A_228 = tpu.memref_slice %arg2[%mul3A_2, %dma_start3A_227] : memref<64x16384xf32, #tpu.memory_space<hbm>> -> memref<2x16384xf32, #tpu.memory_space<hbm>>
      tpu.enqueue_dma source(%dma_start3A_228 : memref<2x16384xf32, #tpu.memory_space<hbm>>) target(%arg4 : memref<2x16384xf32, #tpu.memory_space<vmem>>) target_semaphore(%run_scoped3A : memref<!tpu.dma_semaphore, #tpu.memory_space<semaphore_mem>>)
      %dma_wait3A_229 = arith.constant 0 : i32
      %dma_wait3A_230 = tpu.memref_slice %arg2[%mul3A_2, %dma_wait3A_229] : memref<64x16384xf32, #tpu.memory_space<hbm>> -> memref<2x16384xf32, #tpu.memory_space<hbm>>
      %dma_wait3A_231 = arith.constant 0 : i32
      %dma_wait3A_232 = tpu.memref_slice %arg2[%mul3A_2, %dma_wait3A_231] : memref<64x16384xf32, #tpu.memory_space<hbm>> -> memref<2x16384xf32, #tpu.memory_space<hbm>>
      tpu.wait_dma2 semaphore(%run_scoped3A : memref<!tpu.dma_semaphore, #tpu.memory_space<semaphore_mem>>) src(%dma_wait3A_232 : memref<2x16384xf32, #tpu.memory_space<hbm>>) dst(%arg4 : memref<2x16384xf32, #tpu.memory_space<vmem>>)
      tpu.yield
    }) : () -> ()
    %dma_start3A = arith.constant 0 : i32
    %dma_start3A_3 = arith.constant 0 : i32
    %dma_start3A_4 = tpu.memref_slice %arg3[%dma_start3A, %mul3A_2, %dma_start3A_3] : memref<16x64x16384xf32, #tpu.memory_space<hbm>> -> memref<1x2x16384xf32, #tpu.memory_space<hbm>>
    %dma_start3A_5 = tpu.memref_squeeze %dma_start3A_4 : memref<1x2x16384xf32, #tpu.memory_space<hbm>> -> memref<2x16384xf32, #tpu.memory_space<hbm>>
    %dma_start3A_6 = arith.constant 0 : i32
    %dma_start3A_7 = tpu.memref_slice %arg3[%dma_start3A, %mul3A_2, %dma_start3A_6] : memref<16x64x16384xf32, #tpu.memory_space<hbm>> -> memref<1x2x16384xf32, #tpu.memory_space<hbm>>
    %dma_start3A_8 = tpu.memref_squeeze %dma_start3A_7 : memref<1x2x16384xf32, #tpu.memory_space<hbm>> -> memref<2x16384xf32, #tpu.memory_space<hbm>>
    tpu.enqueue_dma source(%arg4 : memref<2x16384xf32, #tpu.memory_space<vmem>>) target(%dma_start3A_8 : memref<2x16384xf32, #tpu.memory_space<hbm>>) target_semaphore(%arg5 : memref<!tpu.dma_semaphore, #tpu.memory_space<semaphore_mem>>)
    %dma_start3A_9 = arith.constant 1 : i32
    %dma_start3A_10 = arith.constant 0 : i32
    %dma_start3A_11 = tpu.memref_slice %arg3[%dma_start3A_9, %mul3A_2, %dma_start3A_10] : memref<16x64x16384xf32, #tpu.memory_space<hbm>> -> memref<1x2x16384xf32, #tpu.memory_space<hbm>>
    %dma_start3A_12 = tpu.memref_squeeze %dma_start3A_11 : memref<1x2x16384xf32, #tpu.memory_space<hbm>> -> memref<2x16384xf32, #tpu.memory_space<hbm>>
    %dma_start3A_13 = arith.constant 0 : i32
    %dma_start3A_14 = tpu.memref_slice %arg3[%dma_start3A_9, %mul3A_2, %dma_start3A_13] : memref<16x64x16384xf32, #tpu.memory_space<hbm>> -> memref<1x2x16384xf32, #tpu.memory_space<hbm>>
    %dma_start3A_15 = tpu.memref_squeeze %dma_start3A_14 : memref<1x2x16384xf32, #tpu.memory_space<hbm>> -> memref<2x16384xf32, #tpu.memory_space<hbm>>
    tpu.enqueue_dma source(%arg4 : memref<2x16384xf32, #tpu.memory_space<vmem>>) target(%dma_start3A_15 : memref<2x16384xf32, #tpu.memory_space<hbm>>) target_semaphore(%arg5 : memref<!tpu.dma_semaphore, #tpu.memory_space<semaphore_mem>>)
    %dma_start3A_16 = arith.constant 2 : i32
    %dma_start3A_17 = arith.constant 0 : i32
    %dma_start3A_18 = tpu.memref_slice %arg3[%dma_start3A_16, %mul3A_2, %dma_start3A_17] : memref<16x64x16384xf32, #tpu.memory_space<hbm>> -> memref<1x2x16384xf32, #tpu.memory_space<hbm>>
    %dma_start3A_19 = tpu.memref_squeeze %dma_start3A_18 : memref<1x2x16384xf32, #tpu.memory_space<hbm>> -> memref<2x16384xf32, #tpu.memory_space<hbm>>
    %dma_start3A_20 = arith.constant 0 : i32
    %dma_start3A_21 = tpu.memref_slice %arg3[%dma_start3A_16, %mul3A_2, %dma_start3A_20] : memref<16x64x16384xf32, #tpu.memory_space<hbm>> -> memref<1x2x16384xf32, #tpu.memory_space<hbm>>
    %dma_start3A_22 = tpu.memref_squeeze %dma_start3A_21 : memref<1x2x16384xf32, #tpu.memory_space<hbm>> -> memref<2x16384xf32, #tpu.memory_space<hbm>>
    tpu.enqueue_dma source(%arg4 : memref<2x16384xf32, #tpu.memory_space<vmem>>) target(%dma_start3A_22 : memref<2x16384xf32, #tpu.memory_space<hbm>>) target_semaphore(%arg5 : memref<!tpu.dma_semaphore, #tpu.memory_space<semaphore_mem>>)
    %dma_start3A_23 = arith.constant 3 : i32
    %dma_start3A_24 = arith.constant 0 : i32
    %dma_start3A_25 = tpu.memref_slice %arg3[%dma_start3A_23, %mul3A_2, %dma_start3A_24] : memref<16x64x16384xf32, #tpu.memory_space<hbm>> -> memref<1x2x16384xf32, #tpu.memory_space<hbm>>
    %dma_start3A_26 = tpu.memref_squeeze %dma_start3A_25 : memref<1x2x16384xf32, #tpu.memory_space<hbm>> -> memref<2x16384xf32, #tpu.memory_space<hbm>>
    %dma_start3A_27 = arith.constant 0 : i32
    %dma_start3A_28 = tpu.memref_slice %arg3[%dma_start3A_23, %mul3A_2, %dma_start3A_27] : memref<16x64x16384xf32, #tpu.memory_space<hbm>> -> memref<1x2x16384xf32, #tpu.memory_space<hbm>>
    %dma_start3A_29 = tpu.memref_squeeze %dma_start3A_28 : memref<1x2x16384xf32, #tpu.memory_space<hbm>> -> memref<2x16384xf32, #tpu.memory_space<hbm>>
    tpu.enqueue_dma source(%arg4 : memref<2x16384xf32, #tpu.memory_space<vmem>>) target(%dma_start3A_29 : memref<2x16384xf32, #tpu.memory_space<hbm>>) target_semaphore(%arg5 : memref<!tpu.dma_semaphore, #tpu.memory_space<semaphore_mem>>)
    %dma_start3A_30 = arith.constant 4 : i32
    %dma_start3A_31 = arith.constant 0 : i32
    %dma_start3A_32 = tpu.memref_slice %arg3[%dma_start3A_30, %mul3A_2, %dma_start3A_31] : memref<16x64x16384xf32, #tpu.memory_space<hbm>> -> memref<1x2x16384xf32, #tpu.memory_space<hbm>>
    %dma_start3A_33 = tpu.memref_squeeze %dma_start3A_32 : memref<1x2x16384xf32, #tpu.memory_space<hbm>> -> memref<2x16384xf32, #tpu.memory_space<hbm>>
    %dma_start3A_34 = arith.constant 0 : i32
    %dma_start3A_35 = tpu.memref_slice %arg3[%dma_start3A_30, %mul3A_2, %dma_start3A_34] : memref<16x64x16384xf32, #tpu.memory_space<hbm>> -> memref<1x2x16384xf32, #tpu.memory_space<hbm>>
    %dma_start3A_36 = tpu.memref_squeeze %dma_start3A_35 : memref<1x2x16384xf32, #tpu.memory_space<hbm>> -> memref<2x16384xf32, #tpu.memory_space<hbm>>
    tpu.enqueue_dma source(%arg4 : memref<2x16384xf32, #tpu.memory_space<vmem>>) target(%dma_start3A_36 : memref<2x16384xf32, #tpu.memory_space<hbm>>) target_semaphore(%arg5 : memref<!tpu.dma_semaphore, #tpu.memory_space<semaphore_mem>>)
    %dma_start3A_37 = arith.constant 5 : i32
    %dma_start3A_38 = arith.constant 0 : i32
    %dma_start3A_39 = tpu.memref_slice %arg3[%dma_start3A_37, %mul3A_2, %dma_start3A_38] : memref<16x64x16384xf32, #tpu.memory_space<hbm>> -> memref<1x2x16384xf32, #tpu.memory_space<hbm>>
    %dma_start3A_40 = tpu.memref_squeeze %dma_start3A_39 : memref<1x2x16384xf32, #tpu.memory_space<hbm>> -> memref<2x16384xf32, #tpu.memory_space<hbm>>
    %dma_start3A_41 = arith.constant 0 : i32
    %dma_start3A_42 = tpu.memref_slice %arg3[%dma_start3A_37, %mul3A_2, %dma_start3A_41] : memref<16x64x16384xf32, #tpu.memory_space<hbm>> -> memref<1x2x16384xf32, #tpu.memory_space<hbm>>
    %dma_start3A_43 = tpu.memref_squeeze %dma_start3A_42 : memref<1x2x16384xf32, #tpu.memory_space<hbm>> -> memref<2x16384xf32, #tpu.memory_space<hbm>>
    tpu.enqueue_dma source(%arg4 : memref<2x16384xf32, #tpu.memory_space<vmem>>) target(%dma_start3A_43 : memref<2x16384xf32, #tpu.memory_space<hbm>>) target_semaphore(%arg5 : memref<!tpu.dma_semaphore, #tpu.memory_space<semaphore_mem>>)
    %dma_start3A_44 = arith.constant 6 : i32
    %dma_start3A_45 = arith.constant 0 : i32
    %dma_start3A_46 = tpu.memref_slice %arg3[%dma_start3A_44, %mul3A_2, %dma_start3A_45] : memref<16x64x16384xf32, #tpu.memory_space<hbm>> -> memref<1x2x16384xf32, #tpu.memory_space<hbm>>
    %dma_start3A_47 = tpu.memref_squeeze %dma_start3A_46 : memref<1x2x16384xf32, #tpu.memory_space<hbm>> -> memref<2x16384xf32, #tpu.memory_space<hbm>>
    %dma_start3A_48 = arith.constant 0 : i32
    %dma_start3A_49 = tpu.memref_slice %arg3[%dma_start3A_44, %mul3A_2, %dma_start3A_48] : memref<16x64x16384xf32, #tpu.memory_space<hbm>> -> memref<1x2x16384xf32, #tpu.memory_space<hbm>>
    %dma_start3A_50 = tpu.memref_squeeze %dma_start3A_49 : memref<1x2x16384xf32, #tpu.memory_space<hbm>> -> memref<2x16384xf32, #tpu.memory_space<hbm>>
    tpu.enqueue_dma source(%arg4 : memref<2x16384xf32, #tpu.memory_space<vmem>>) target(%dma_start3A_50 : memref<2x16384xf32, #tpu.memory_space<hbm>>) target_semaphore(%arg5 : memref<!tpu.dma_semaphore, #tpu.memory_space<semaphore_mem>>)
    %dma_start3A_51 = arith.constant 7 : i32
    %dma_start3A_52 = arith.constant 0 : i32
    %dma_start3A_53 = tpu.memref_slice %arg3[%dma_start3A_51, %mul3A_2, %dma_start3A_52] : memref<16x64x16384xf32, #tpu.memory_space<hbm>> -> memref<1x2x16384xf32, #tpu.memory_space<hbm>>
    %dma_start3A_54 = tpu.memref_squeeze %dma_start3A_53 : memref<1x2x16384xf32, #tpu.memory_space<hbm>> -> memref<2x16384xf32, #tpu.memory_space<hbm>>
    %dma_start3A_55 = arith.constant 0 : i32
    %dma_start3A_56 = tpu.memref_slice %arg3[%dma_start3A_51, %mul3A_2, %dma_start3A_55] : memref<16x64x16384xf32, #tpu.memory_space<hbm>> -> memref<1x2x16384xf32, #tpu.memory_space<hbm>>
    %dma_start3A_57 = tpu.memref_squeeze %dma_start3A_56 : memref<1x2x16384xf32, #tpu.memory_space<hbm>> -> memref<2x16384xf32, #tpu.memory_space<hbm>>
    tpu.enqueue_dma source(%arg4 : memref<2x16384xf32, #tpu.memory_space<vmem>>) target(%dma_start3A_57 : memref<2x16384xf32, #tpu.memory_space<hbm>>) target_semaphore(%arg5 : memref<!tpu.dma_semaphore, #tpu.memory_space<semaphore_mem>>)
    %dma_start3A_58 = arith.constant 8 : i32
    %dma_start3A_59 = arith.constant 0 : i32
    %dma_start3A_60 = tpu.memref_slice %arg3[%dma_start3A_58, %mul3A_2, %dma_start3A_59] : memref<16x64x16384xf32, #tpu.memory_space<hbm>> -> memref<1x2x16384xf32, #tpu.memory_space<hbm>>
    %dma_start3A_61 = tpu.memref_squeeze %dma_start3A_60 : memref<1x2x16384xf32, #tpu.memory_space<hbm>> -> memref<2x16384xf32, #tpu.memory_space<hbm>>
    %dma_start3A_62 = arith.constant 0 : i32
    %dma_start3A_63 = tpu.memref_slice %arg3[%dma_start3A_58, %mul3A_2, %dma_start3A_62] : memref<16x64x16384xf32, #tpu.memory_space<hbm>> -> memref<1x2x16384xf32, #tpu.memory_space<hbm>>
    %dma_start3A_64 = tpu.memref_squeeze %dma_start3A_63 : memref<1x2x16384xf32, #tpu.memory_space<hbm>> -> memref<2x16384xf32, #tpu.memory_space<hbm>>
    tpu.enqueue_dma source(%arg4 : memref<2x16384xf32, #tpu.memory_space<vmem>>) target(%dma_start3A_64 : memref<2x16384xf32, #tpu.memory_space<hbm>>) target_semaphore(%arg5 : memref<!tpu.dma_semaphore, #tpu.memory_space<semaphore_mem>>)
    %dma_start3A_65 = arith.constant 9 : i32
    %dma_start3A_66 = arith.constant 0 : i32
    %dma_start3A_67 = tpu.memref_slice %arg3[%dma_start3A_65, %mul3A_2, %dma_start3A_66] : memref<16x64x16384xf32, #tpu.memory_space<hbm>> -> memref<1x2x16384xf32, #tpu.memory_space<hbm>>
    %dma_start3A_68 = tpu.memref_squeeze %dma_start3A_67 : memref<1x2x16384xf32, #tpu.memory_space<hbm>> -> memref<2x16384xf32, #tpu.memory_space<hbm>>
    %dma_start3A_69 = arith.constant 0 : i32
    %dma_start3A_70 = tpu.memref_slice %arg3[%dma_start3A_65, %mul3A_2, %dma_start3A_69] : memref<16x64x16384xf32, #tpu.memory_space<hbm>> -> memref<1x2x16384xf32, #tpu.memory_space<hbm>>
    %dma_start3A_71 = tpu.memref_squeeze %dma_start3A_70 : memref<1x2x16384xf32, #tpu.memory_space<hbm>> -> memref<2x16384xf32, #tpu.memory_space<hbm>>
    tpu.enqueue_dma source(%arg4 : memref<2x16384xf32, #tpu.memory_space<vmem>>) target(%dma_start3A_71 : memref<2x16384xf32, #tpu.memory_space<hbm>>) target_semaphore(%arg5 : memref<!tpu.dma_semaphore, #tpu.memory_space<semaphore_mem>>)
    %dma_start3A_72 = arith.constant 10 : i32
    %dma_start3A_73 = arith.constant 0 : i32
    %dma_start3A_74 = tpu.memref_slice %arg3[%dma_start3A_72, %mul3A_2, %dma_start3A_73] : memref<16x64x16384xf32, #tpu.memory_space<hbm>> -> memref<1x2x16384xf32, #tpu.memory_space<hbm>>
    %dma_start3A_75 = tpu.memref_squeeze %dma_start3A_74 : memref<1x2x16384xf32, #tpu.memory_space<hbm>> -> memref<2x16384xf32, #tpu.memory_space<hbm>>
    %dma_start3A_76 = arith.constant 0 : i32
    %dma_start3A_77 = tpu.memref_slice %arg3[%dma_start3A_72, %mul3A_2, %dma_start3A_76] : memref<16x64x16384xf32, #tpu.memory_space<hbm>> -> memref<1x2x16384xf32, #tpu.memory_space<hbm>>
    %dma_start3A_78 = tpu.memref_squeeze %dma_start3A_77 : memref<1x2x16384xf32, #tpu.memory_space<hbm>> -> memref<2x16384xf32, #tpu.memory_space<hbm>>
    tpu.enqueue_dma source(%arg4 : memref<2x16384xf32, #tpu.memory_space<vmem>>) target(%dma_start3A_78 : memref<2x16384xf32, #tpu.memory_space<hbm>>) target_semaphore(%arg5 : memref<!tpu.dma_semaphore, #tpu.memory_space<semaphore_mem>>)
    %dma_start3A_79 = arith.constant 11 : i32
    %dma_start3A_80 = arith.constant 0 : i32
    %dma_start3A_81 = tpu.memref_slice %arg3[%dma_start3A_79, %mul3A_2, %dma_start3A_80] : memref<16x64x16384xf32, #tpu.memory_space<hbm>> -> memref<1x2x16384xf32, #tpu.memory_space<hbm>>
    %dma_start3A_82 = tpu.memref_squeeze %dma_start3A_81 : memref<1x2x16384xf32, #tpu.memory_space<hbm>> -> memref<2x16384xf32, #tpu.memory_space<hbm>>
    %dma_start3A_83 = arith.constant 0 : i32
    %dma_start3A_84 = tpu.memref_slice %arg3[%dma_start3A_79, %mul3A_2, %dma_start3A_83] : memref<16x64x16384xf32, #tpu.memory_space<hbm>> -> memref<1x2x16384xf32, #tpu.memory_space<hbm>>
    %dma_start3A_85 = tpu.memref_squeeze %dma_start3A_84 : memref<1x2x16384xf32, #tpu.memory_space<hbm>> -> memref<2x16384xf32, #tpu.memory_space<hbm>>
    tpu.enqueue_dma source(%arg4 : memref<2x16384xf32, #tpu.memory_space<vmem>>) target(%dma_start3A_85 : memref<2x16384xf32, #tpu.memory_space<hbm>>) target_semaphore(%arg5 : memref<!tpu.dma_semaphore, #tpu.memory_space<semaphore_mem>>)
    %dma_start3A_86 = arith.constant 12 : i32
    %dma_start3A_87 = arith.constant 0 : i32
    %dma_start3A_88 = tpu.memref_slice %arg3[%dma_start3A_86, %mul3A_2, %dma_start3A_87] : memref<16x64x16384xf32, #tpu.memory_space<hbm>> -> memref<1x2x16384xf32, #tpu.memory_space<hbm>>
    %dma_start3A_89 = tpu.memref_squeeze %dma_start3A_88 : memref<1x2x16384xf32, #tpu.memory_space<hbm>> -> memref<2x16384xf32, #tpu.memory_space<hbm>>
    %dma_start3A_90 = arith.constant 0 : i32
    %dma_start3A_91 = tpu.memref_slice %arg3[%dma_start3A_86, %mul3A_2, %dma_start3A_90] : memref<16x64x16384xf32, #tpu.memory_space<hbm>> -> memref<1x2x16384xf32, #tpu.memory_space<hbm>>
    %dma_start3A_92 = tpu.memref_squeeze %dma_start3A_91 : memref<1x2x16384xf32, #tpu.memory_space<hbm>> -> memref<2x16384xf32, #tpu.memory_space<hbm>>
    tpu.enqueue_dma source(%arg4 : memref<2x16384xf32, #tpu.memory_space<vmem>>) target(%dma_start3A_92 : memref<2x16384xf32, #tpu.memory_space<hbm>>) target_semaphore(%arg5 : memref<!tpu.dma_semaphore, #tpu.memory_space<semaphore_mem>>)
    %dma_start3A_93 = arith.constant 13 : i32
    %dma_start3A_94 = arith.constant 0 : i32
    %dma_start3A_95 = tpu.memref_slice %arg3[%dma_start3A_93, %mul3A_2, %dma_start3A_94] : memref<16x64x16384xf32, #tpu.memory_space<hbm>> -> memref<1x2x16384xf32, #tpu.memory_space<hbm>>
    %dma_start3A_96 = tpu.memref_squeeze %dma_start3A_95 : memref<1x2x16384xf32, #tpu.memory_space<hbm>> -> memref<2x16384xf32, #tpu.memory_space<hbm>>
    %dma_start3A_97 = arith.constant 0 : i32
    %dma_start3A_98 = tpu.memref_slice %arg3[%dma_start3A_93, %mul3A_2, %dma_start3A_97] : memref<16x64x16384xf32, #tpu.memory_space<hbm>> -> memref<1x2x16384xf32, #tpu.memory_space<hbm>>
    %dma_start3A_99 = tpu.memref_squeeze %dma_start3A_98 : memref<1x2x16384xf32, #tpu.memory_space<hbm>> -> memref<2x16384xf32, #tpu.memory_space<hbm>>
    tpu.enqueue_dma source(%arg4 : memref<2x16384xf32, #tpu.memory_space<vmem>>) target(%dma_start3A_99 : memref<2x16384xf32, #tpu.memory_space<hbm>>) target_semaphore(%arg5 : memref<!tpu.dma_semaphore, #tpu.memory_space<semaphore_mem>>)
    %dma_start3A_100 = arith.constant 14 : i32
    %dma_start3A_101 = arith.constant 0 : i32
    %dma_start3A_102 = tpu.memref_slice %arg3[%dma_start3A_100, %mul3A_2, %dma_start3A_101] : memref<16x64x16384xf32, #tpu.memory_space<hbm>> -> memref<1x2x16384xf32, #tpu.memory_space<hbm>>
    %dma_start3A_103 = tpu.memref_squeeze %dma_start3A_102 : memref<1x2x16384xf32, #tpu.memory_space<hbm>> -> memref<2x16384xf32, #tpu.memory_space<hbm>>
    %dma_start3A_104 = arith.constant 0 : i32
    %dma_start3A_105 = tpu.memref_slice %arg3[%dma_start3A_100, %mul3A_2, %dma_start3A_104] : memref<16x64x16384xf32, #tpu.memory_space<hbm>> -> memref<1x2x16384xf32, #tpu.memory_space<hbm>>
    %dma_start3A_106 = tpu.memref_squeeze %dma_start3A_105 : memref<1x2x16384xf32, #tpu.memory_space<hbm>> -> memref<2x16384xf32, #tpu.memory_space<hbm>>
    tpu.enqueue_dma source(%arg4 : memref<2x16384xf32, #tpu.memory_space<vmem>>) target(%dma_start3A_106 : memref<2x16384xf32, #tpu.memory_space<hbm>>) target_semaphore(%arg5 : memref<!tpu.dma_semaphore, #tpu.memory_space<semaphore_mem>>)
    %dma_start3A_107 = arith.constant 15 : i32
    %dma_start3A_108 = arith.constant 0 : i32
    %dma_start3A_109 = tpu.memref_slice %arg3[%dma_start3A_107, %mul3A_2, %dma_start3A_108] : memref<16x64x16384xf32, #tpu.memory_space<hbm>> -> memref<1x2x16384xf32, #tpu.memory_space<hbm>>
    %dma_start3A_110 = tpu.memref_squeeze %dma_start3A_109 : memref<1x2x16384xf32, #tpu.memory_space<hbm>> -> memref<2x16384xf32, #tpu.memory_space<hbm>>
    %dma_start3A_111 = arith.constant 0 : i32
    %dma_start3A_112 = tpu.memref_slice %arg3[%dma_start3A_107, %mul3A_2, %dma_start3A_111] : memref<16x64x16384xf32, #tpu.memory_space<hbm>> -> memref<1x2x16384xf32, #tpu.memory_space<hbm>>
    %dma_start3A_113 = tpu.memref_squeeze %dma_start3A_112 : memref<1x2x16384xf32, #tpu.memory_space<hbm>> -> memref<2x16384xf32, #tpu.memory_space<hbm>>
    tpu.enqueue_dma source(%arg4 : memref<2x16384xf32, #tpu.memory_space<vmem>>) target(%dma_start3A_113 : memref<2x16384xf32, #tpu.memory_space<hbm>>) target_semaphore(%arg5 : memref<!tpu.dma_semaphore, #tpu.memory_space<semaphore_mem>>)
    %dma_wait3A = arith.constant 0 : i32
    %dma_wait3A_114 = arith.constant 0 : i32
    %dma_wait3A_115 = tpu.memref_slice %arg3[%dma_wait3A, %mul3A_2, %dma_wait3A_114] : memref<16x64x16384xf32, #tpu.memory_space<hbm>> -> memref<1x2x16384xf32, #tpu.memory_space<hbm>>
    %dma_wait3A_116 = tpu.memref_squeeze %dma_wait3A_115 : memref<1x2x16384xf32, #tpu.memory_space<hbm>> -> memref<2x16384xf32, #tpu.memory_space<hbm>>
    %dma_wait3A_117 = arith.constant 0 : i32
    %dma_wait3A_118 = tpu.memref_slice %arg3[%dma_wait3A, %mul3A_2, %dma_wait3A_117] : memref<16x64x16384xf32, #tpu.memory_space<hbm>> -> memref<1x2x16384xf32, #tpu.memory_space<hbm>>
    %dma_wait3A_119 = tpu.memref_squeeze %dma_wait3A_118 : memref<1x2x16384xf32, #tpu.memory_space<hbm>> -> memref<2x16384xf32, #tpu.memory_space<hbm>>
    tpu.wait_dma2 semaphore(%arg5 : memref<!tpu.dma_semaphore, #tpu.memory_space<semaphore_mem>>) src(%arg4 : memref<2x16384xf32, #tpu.memory_space<vmem>>) dst(%dma_wait3A_119 : memref<2x16384xf32, #tpu.memory_space<hbm>>)
    %dma_wait3A_120 = arith.constant 1 : i32
    %dma_wait3A_121 = arith.constant 0 : i32
    %dma_wait3A_122 = tpu.memref_slice %arg3[%dma_wait3A_120, %mul3A_2, %dma_wait3A_121] : memref<16x64x16384xf32, #tpu.memory_space<hbm>> -> memref<1x2x16384xf32, #tpu.memory_space<hbm>>
    %dma_wait3A_123 = tpu.memref_squeeze %dma_wait3A_122 : memref<1x2x16384xf32, #tpu.memory_space<hbm>> -> memref<2x16384xf32, #tpu.memory_space<hbm>>
    %dma_wait3A_124 = arith.constant 0 : i32
    %dma_wait3A_125 = tpu.memref_slice %arg3[%dma_wait3A_120, %mul3A_2, %dma_wait3A_124] : memref<16x64x16384xf32, #tpu.memory_space<hbm>> -> memref<1x2x16384xf32, #tpu.memory_space<hbm>>
    %dma_wait3A_126 = tpu.memref_squeeze %dma_wait3A_125 : memref<1x2x16384xf32, #tpu.memory_space<hbm>> -> memref<2x16384xf32, #tpu.memory_space<hbm>>
    tpu.wait_dma2 semaphore(%arg5 : memref<!tpu.dma_semaphore, #tpu.memory_space<semaphore_mem>>) src(%arg4 : memref<2x16384xf32, #tpu.memory_space<vmem>>) dst(%dma_wait3A_126 : memref<2x16384xf32, #tpu.memory_space<hbm>>)
    %dma_wait3A_127 = arith.constant 2 : i32
    %dma_wait3A_128 = arith.constant 0 : i32
    %dma_wait3A_129 = tpu.memref_slice %arg3[%dma_wait3A_127, %mul3A_2, %dma_wait3A_128] : memref<16x64x16384xf32, #tpu.memory_space<hbm>> -> memref<1x2x16384xf32, #tpu.memory_space<hbm>>
    %dma_wait3A_130 = tpu.memref_squeeze %dma_wait3A_129 : memref<1x2x16384xf32, #tpu.memory_space<hbm>> -> memref<2x16384xf32, #tpu.memory_space<hbm>>
    %dma_wait3A_131 = arith.constant 0 : i32
    %dma_wait3A_132 = tpu.memref_slice %arg3[%dma_wait3A_127, %mul3A_2, %dma_wait3A_131] : memref<16x64x16384xf32, #tpu.memory_space<hbm>> -> memref<1x2x16384xf32, #tpu.memory_space<hbm>>
    %dma_wait3A_133 = tpu.memref_squeeze %dma_wait3A_132 : memref<1x2x16384xf32, #tpu.memory_space<hbm>> -> memref<2x16384xf32, #tpu.memory_space<hbm>>
    tpu.wait_dma2 semaphore(%arg5 : memref<!tpu.dma_semaphore, #tpu.memory_space<semaphore_mem>>) src(%arg4 : memref<2x16384xf32, #tpu.memory_space<vmem>>) dst(%dma_wait3A_133 : memref<2x16384xf32, #tpu.memory_space<hbm>>)
    %dma_wait3A_134 = arith.constant 3 : i32
    %dma_wait3A_135 = arith.constant 0 : i32
    %dma_wait3A_136 = tpu.memref_slice %arg3[%dma_wait3A_134, %mul3A_2, %dma_wait3A_135] : memref<16x64x16384xf32, #tpu.memory_space<hbm>> -> memref<1x2x16384xf32, #tpu.memory_space<hbm>>
    %dma_wait3A_137 = tpu.memref_squeeze %dma_wait3A_136 : memref<1x2x16384xf32, #tpu.memory_space<hbm>> -> memref<2x16384xf32, #tpu.memory_space<hbm>>
    %dma_wait3A_138 = arith.constant 0 : i32
    %dma_wait3A_139 = tpu.memref_slice %arg3[%dma_wait3A_134, %mul3A_2, %dma_wait3A_138] : memref<16x64x16384xf32, #tpu.memory_space<hbm>> -> memref<1x2x16384xf32, #tpu.memory_space<hbm>>
    %dma_wait3A_140 = tpu.memref_squeeze %dma_wait3A_139 : memref<1x2x16384xf32, #tpu.memory_space<hbm>> -> memref<2x16384xf32, #tpu.memory_space<hbm>>
    tpu.wait_dma2 semaphore(%arg5 : memref<!tpu.dma_semaphore, #tpu.memory_space<semaphore_mem>>) src(%arg4 : memref<2x16384xf32, #tpu.memory_space<vmem>>) dst(%dma_wait3A_140 : memref<2x16384xf32, #tpu.memory_space<hbm>>)
    %dma_wait3A_141 = arith.constant 4 : i32
    %dma_wait3A_142 = arith.constant 0 : i32
    %dma_wait3A_143 = tpu.memref_slice %arg3[%dma_wait3A_141, %mul3A_2, %dma_wait3A_142] : memref<16x64x16384xf32, #tpu.memory_space<hbm>> -> memref<1x2x16384xf32, #tpu.memory_space<hbm>>
    %dma_wait3A_144 = tpu.memref_squeeze %dma_wait3A_143 : memref<1x2x16384xf32, #tpu.memory_space<hbm>> -> memref<2x16384xf32, #tpu.memory_space<hbm>>
    %dma_wait3A_145 = arith.constant 0 : i32
    %dma_wait3A_146 = tpu.memref_slice %arg3[%dma_wait3A_141, %mul3A_2, %dma_wait3A_145] : memref<16x64x16384xf32, #tpu.memory_space<hbm>> -> memref<1x2x16384xf32, #tpu.memory_space<hbm>>
    %dma_wait3A_147 = tpu.memref_squeeze %dma_wait3A_146 : memref<1x2x16384xf32, #tpu.memory_space<hbm>> -> memref<2x16384xf32, #tpu.memory_space<hbm>>
    tpu.wait_dma2 semaphore(%arg5 : memref<!tpu.dma_semaphore, #tpu.memory_space<semaphore_mem>>) src(%arg4 : memref<2x16384xf32, #tpu.memory_space<vmem>>) dst(%dma_wait3A_147 : memref<2x16384xf32, #tpu.memory_space<hbm>>)
    %dma_wait3A_148 = arith.constant 5 : i32
    %dma_wait3A_149 = arith.constant 0 : i32
    %dma_wait3A_150 = tpu.memref_slice %arg3[%dma_wait3A_148, %mul3A_2, %dma_wait3A_149] : memref<16x64x16384xf32, #tpu.memory_space<hbm>> -> memref<1x2x16384xf32, #tpu.memory_space<hbm>>
    %dma_wait3A_151 = tpu.memref_squeeze %dma_wait3A_150 : memref<1x2x16384xf32, #tpu.memory_space<hbm>> -> memref<2x16384xf32, #tpu.memory_space<hbm>>
    %dma_wait3A_152 = arith.constant 0 : i32
    %dma_wait3A_153 = tpu.memref_slice %arg3[%dma_wait3A_148, %mul3A_2, %dma_wait3A_152] : memref<16x64x16384xf32, #tpu.memory_space<hbm>> -> memref<1x2x16384xf32, #tpu.memory_space<hbm>>
    %dma_wait3A_154 = tpu.memref_squeeze %dma_wait3A_153 : memref<1x2x16384xf32, #tpu.memory_space<hbm>> -> memref<2x16384xf32, #tpu.memory_space<hbm>>
    tpu.wait_dma2 semaphore(%arg5 : memref<!tpu.dma_semaphore, #tpu.memory_space<semaphore_mem>>) src(%arg4 : memref<2x16384xf32, #tpu.memory_space<vmem>>) dst(%dma_wait3A_154 : memref<2x16384xf32, #tpu.memory_space<hbm>>)
    %dma_wait3A_155 = arith.constant 6 : i32
    %dma_wait3A_156 = arith.constant 0 : i32
    %dma_wait3A_157 = tpu.memref_slice %arg3[%dma_wait3A_155, %mul3A_2, %dma_wait3A_156] : memref<16x64x16384xf32, #tpu.memory_space<hbm>> -> memref<1x2x16384xf32, #tpu.memory_space<hbm>>
    %dma_wait3A_158 = tpu.memref_squeeze %dma_wait3A_157 : memref<1x2x16384xf32, #tpu.memory_space<hbm>> -> memref<2x16384xf32, #tpu.memory_space<hbm>>
    %dma_wait3A_159 = arith.constant 0 : i32
    %dma_wait3A_160 = tpu.memref_slice %arg3[%dma_wait3A_155, %mul3A_2, %dma_wait3A_159] : memref<16x64x16384xf32, #tpu.memory_space<hbm>> -> memref<1x2x16384xf32, #tpu.memory_space<hbm>>
    %dma_wait3A_161 = tpu.memref_squeeze %dma_wait3A_160 : memref<1x2x16384xf32, #tpu.memory_space<hbm>> -> memref<2x16384xf32, #tpu.memory_space<hbm>>
    tpu.wait_dma2 semaphore(%arg5 : memref<!tpu.dma_semaphore, #tpu.memory_space<semaphore_mem>>) src(%arg4 : memref<2x16384xf32, #tpu.memory_space<vmem>>) dst(%dma_wait3A_161 : memref<2x16384xf32, #tpu.memory_space<hbm>>)
    %dma_wait3A_162 = arith.constant 7 : i32
    %dma_wait3A_163 = arith.constant 0 : i32
    %dma_wait3A_164 = tpu.memref_slice %arg3[%dma_wait3A_162, %mul3A_2, %dma_wait3A_163] : memref<16x64x16384xf32, #tpu.memory_space<hbm>> -> memref<1x2x16384xf32, #tpu.memory_space<hbm>>
    %dma_wait3A_165 = tpu.memref_squeeze %dma_wait3A_164 : memref<1x2x16384xf32, #tpu.memory_space<hbm>> -> memref<2x16384xf32, #tpu.memory_space<hbm>>
    %dma_wait3A_166 = arith.constant 0 : i32
    %dma_wait3A_167 = tpu.memref_slice %arg3[%dma_wait3A_162, %mul3A_2, %dma_wait3A_166] : memref<16x64x16384xf32, #tpu.memory_space<hbm>> -> memref<1x2x16384xf32, #tpu.memory_space<hbm>>
    %dma_wait3A_168 = tpu.memref_squeeze %dma_wait3A_167 : memref<1x2x16384xf32, #tpu.memory_space<hbm>> -> memref<2x16384xf32, #tpu.memory_space<hbm>>
    tpu.wait_dma2 semaphore(%arg5 : memref<!tpu.dma_semaphore, #tpu.memory_space<semaphore_mem>>) src(%arg4 : memref<2x16384xf32, #tpu.memory_space<vmem>>) dst(%dma_wait3A_168 : memref<2x16384xf32, #tpu.memory_space<hbm>>)
    %dma_wait3A_169 = arith.constant 8 : i32
    %dma_wait3A_170 = arith.constant 0 : i32
    %dma_wait3A_171 = tpu.memref_slice %arg3[%dma_wait3A_169, %mul3A_2, %dma_wait3A_170] : memref<16x64x16384xf32, #tpu.memory_space<hbm>> -> memref<1x2x16384xf32, #tpu.memory_space<hbm>>
    %dma_wait3A_172 = tpu.memref_squeeze %dma_wait3A_171 : memref<1x2x16384xf32, #tpu.memory_space<hbm>> -> memref<2x16384xf32, #tpu.memory_space<hbm>>
    %dma_wait3A_173 = arith.constant 0 : i32
    %dma_wait3A_174 = tpu.memref_slice %arg3[%dma_wait3A_169, %mul3A_2, %dma_wait3A_173] : memref<16x64x16384xf32, #tpu.memory_space<hbm>> -> memref<1x2x16384xf32, #tpu.memory_space<hbm>>
    %dma_wait3A_175 = tpu.memref_squeeze %dma_wait3A_174 : memref<1x2x16384xf32, #tpu.memory_space<hbm>> -> memref<2x16384xf32, #tpu.memory_space<hbm>>
    tpu.wait_dma2 semaphore(%arg5 : memref<!tpu.dma_semaphore, #tpu.memory_space<semaphore_mem>>) src(%arg4 : memref<2x16384xf32, #tpu.memory_space<vmem>>) dst(%dma_wait3A_175 : memref<2x16384xf32, #tpu.memory_space<hbm>>)
    %dma_wait3A_176 = arith.constant 9 : i32
    %dma_wait3A_177 = arith.constant 0 : i32
    %dma_wait3A_178 = tpu.memref_slice %arg3[%dma_wait3A_176, %mul3A_2, %dma_wait3A_177] : memref<16x64x16384xf32, #tpu.memory_space<hbm>> -> memref<1x2x16384xf32, #tpu.memory_space<hbm>>
    %dma_wait3A_179 = tpu.memref_squeeze %dma_wait3A_178 : memref<1x2x16384xf32, #tpu.memory_space<hbm>> -> memref<2x16384xf32, #tpu.memory_space<hbm>>
    %dma_wait3A_180 = arith.constant 0 : i32
    %dma_wait3A_181 = tpu.memref_slice %arg3[%dma_wait3A_176, %mul3A_2, %dma_wait3A_180] : memref<16x64x16384xf32, #tpu.memory_space<hbm>> -> memref<1x2x16384xf32, #tpu.memory_space<hbm>>
    %dma_wait3A_182 = tpu.memref_squeeze %dma_wait3A_181 : memref<1x2x16384xf32, #tpu.memory_space<hbm>> -> memref<2x16384xf32, #tpu.memory_space<hbm>>
    tpu.wait_dma2 semaphore(%arg5 : memref<!tpu.dma_semaphore, #tpu.memory_space<semaphore_mem>>) src(%arg4 : memref<2x16384xf32, #tpu.memory_space<vmem>>) dst(%dma_wait3A_182 : memref<2x16384xf32, #tpu.memory_space<hbm>>)
    %dma_wait3A_183 = arith.constant 10 : i32
    %dma_wait3A_184 = arith.constant 0 : i32
    %dma_wait3A_185 = tpu.memref_slice %arg3[%dma_wait3A_183, %mul3A_2, %dma_wait3A_184] : memref<16x64x16384xf32, #tpu.memory_space<hbm>> -> memref<1x2x16384xf32, #tpu.memory_space<hbm>>
    %dma_wait3A_186 = tpu.memref_squeeze %dma_wait3A_185 : memref<1x2x16384xf32, #tpu.memory_space<hbm>> -> memref<2x16384xf32, #tpu.memory_space<hbm>>
    %dma_wait3A_187 = arith.constant 0 : i32
    %dma_wait3A_188 = tpu.memref_slice %arg3[%dma_wait3A_183, %mul3A_2, %dma_wait3A_187] : memref<16x64x16384xf32, #tpu.memory_space<hbm>> -> memref<1x2x16384xf32, #tpu.memory_space<hbm>>
    %dma_wait3A_189 = tpu.memref_squeeze %dma_wait3A_188 : memref<1x2x16384xf32, #tpu.memory_space<hbm>> -> memref<2x16384xf32, #tpu.memory_space<hbm>>
    tpu.wait_dma2 semaphore(%arg5 : memref<!tpu.dma_semaphore, #tpu.memory_space<semaphore_mem>>) src(%arg4 : memref<2x16384xf32, #tpu.memory_space<vmem>>) dst(%dma_wait3A_189 : memref<2x16384xf32, #tpu.memory_space<hbm>>)
    %dma_wait3A_190 = arith.constant 11 : i32
    %dma_wait3A_191 = arith.constant 0 : i32
    %dma_wait3A_192 = tpu.memref_slice %arg3[%dma_wait3A_190, %mul3A_2, %dma_wait3A_191] : memref<16x64x16384xf32, #tpu.memory_space<hbm>> -> memref<1x2x16384xf32, #tpu.memory_space<hbm>>
    %dma_wait3A_193 = tpu.memref_squeeze %dma_wait3A_192 : memref<1x2x16384xf32, #tpu.memory_space<hbm>> -> memref<2x16384xf32, #tpu.memory_space<hbm>>
    %dma_wait3A_194 = arith.constant 0 : i32
    %dma_wait3A_195 = tpu.memref_slice %arg3[%dma_wait3A_190, %mul3A_2, %dma_wait3A_194] : memref<16x64x16384xf32, #tpu.memory_space<hbm>> -> memref<1x2x16384xf32, #tpu.memory_space<hbm>>
    %dma_wait3A_196 = tpu.memref_squeeze %dma_wait3A_195 : memref<1x2x16384xf32, #tpu.memory_space<hbm>> -> memref<2x16384xf32, #tpu.memory_space<hbm>>
    tpu.wait_dma2 semaphore(%arg5 : memref<!tpu.dma_semaphore, #tpu.memory_space<semaphore_mem>>) src(%arg4 : memref<2x16384xf32, #tpu.memory_space<vmem>>) dst(%dma_wait3A_196 : memref<2x16384xf32, #tpu.memory_space<hbm>>)
    %dma_wait3A_197 = arith.constant 12 : i32
    %dma_wait3A_198 = arith.constant 0 : i32
    %dma_wait3A_199 = tpu.memref_slice %arg3[%dma_wait3A_197, %mul3A_2, %dma_wait3A_198] : memref<16x64x16384xf32, #tpu.memory_space<hbm>> -> memref<1x2x16384xf32, #tpu.memory_space<hbm>>
    %dma_wait3A_200 = tpu.memref_squeeze %dma_wait3A_199 : memref<1x2x16384xf32, #tpu.memory_space<hbm>> -> memref<2x16384xf32, #tpu.memory_space<hbm>>
    %dma_wait3A_201 = arith.constant 0 : i32
    %dma_wait3A_202 = tpu.memref_slice %arg3[%dma_wait3A_197, %mul3A_2, %dma_wait3A_201] : memref<16x64x16384xf32, #tpu.memory_space<hbm>> -> memref<1x2x16384xf32, #tpu.memory_space<hbm>>
    %dma_wait3A_203 = tpu.memref_squeeze %dma_wait3A_202 : memref<1x2x16384xf32, #tpu.memory_space<hbm>> -> memref<2x16384xf32, #tpu.memory_space<hbm>>
    tpu.wait_dma2 semaphore(%arg5 : memref<!tpu.dma_semaphore, #tpu.memory_space<semaphore_mem>>) src(%arg4 : memref<2x16384xf32, #tpu.memory_space<vmem>>) dst(%dma_wait3A_203 : memref<2x16384xf32, #tpu.memory_space<hbm>>)
    %dma_wait3A_204 = arith.constant 13 : i32
    %dma_wait3A_205 = arith.constant 0 : i32
    %dma_wait3A_206 = tpu.memref_slice %arg3[%dma_wait3A_204, %mul3A_2, %dma_wait3A_205] : memref<16x64x16384xf32, #tpu.memory_space<hbm>> -> memref<1x2x16384xf32, #tpu.memory_space<hbm>>
    %dma_wait3A_207 = tpu.memref_squeeze %dma_wait3A_206 : memref<1x2x16384xf32, #tpu.memory_space<hbm>> -> memref<2x16384xf32, #tpu.memory_space<hbm>>
    %dma_wait3A_208 = arith.constant 0 : i32
    %dma_wait3A_209 = tpu.memref_slice %arg3[%dma_wait3A_204, %mul3A_2, %dma_wait3A_208] : memref<16x64x16384xf32, #tpu.memory_space<hbm>> -> memref<1x2x16384xf32, #tpu.memory_space<hbm>>
    %dma_wait3A_210 = tpu.memref_squeeze %dma_wait3A_209 : memref<1x2x16384xf32, #tpu.memory_space<hbm>> -> memref<2x16384xf32, #tpu.memory_space<hbm>>
    tpu.wait_dma2 semaphore(%arg5 : memref<!tpu.dma_semaphore, #tpu.memory_space<semaphore_mem>>) src(%arg4 : memref<2x16384xf32, #tpu.memory_space<vmem>>) dst(%dma_wait3A_210 : memref<2x16384xf32, #tpu.memory_space<hbm>>)
    %dma_wait3A_211 = arith.constant 14 : i32
    %dma_wait3A_212 = arith.constant 0 : i32
    %dma_wait3A_213 = tpu.memref_slice %arg3[%dma_wait3A_211, %mul3A_2, %dma_wait3A_212] : memref<16x64x16384xf32, #tpu.memory_space<hbm>> -> memref<1x2x16384xf32, #tpu.memory_space<hbm>>
    %dma_wait3A_214 = tpu.memref_squeeze %dma_wait3A_213 : memref<1x2x16384xf32, #tpu.memory_space<hbm>> -> memref<2x16384xf32, #tpu.memory_space<hbm>>
    %dma_wait3A_215 = arith.constant 0 : i32
    %dma_wait3A_216 = tpu.memref_slice %arg3[%dma_wait3A_211, %mul3A_2, %dma_wait3A_215] : memref<16x64x16384xf32, #tpu.memory_space<hbm>> -> memref<1x2x16384xf32, #tpu.memory_space<hbm>>
    %dma_wait3A_217 = tpu.memref_squeeze %dma_wait3A_216 : memref<1x2x16384xf32, #tpu.memory_space<hbm>> -> memref<2x16384xf32, #tpu.memory_space<hbm>>
    tpu.wait_dma2 semaphore(%arg5 : memref<!tpu.dma_semaphore, #tpu.memory_space<semaphore_mem>>) src(%arg4 : memref<2x16384xf32, #tpu.memory_space<vmem>>) dst(%dma_wait3A_217 : memref<2x16384xf32, #tpu.memory_space<hbm>>)
    %dma_wait3A_218 = arith.constant 15 : i32
    %dma_wait3A_219 = arith.constant 0 : i32
    %dma_wait3A_220 = tpu.memref_slice %arg3[%dma_wait3A_218, %mul3A_2, %dma_wait3A_219] : memref<16x64x16384xf32, #tpu.memory_space<hbm>> -> memref<1x2x16384xf32, #tpu.memory_space<hbm>>
    %dma_wait3A_221 = tpu.memref_squeeze %dma_wait3A_220 : memref<1x2x16384xf32, #tpu.memory_space<hbm>> -> memref<2x16384xf32, #tpu.memory_space<hbm>>
    %dma_wait3A_222 = arith.constant 0 : i32
    %dma_wait3A_223 = tpu.memref_slice %arg3[%dma_wait3A_218, %mul3A_2, %dma_wait3A_222] : memref<16x64x16384xf32, #tpu.memory_space<hbm>> -> memref<1x2x16384xf32, #tpu.memory_space<hbm>>
    %dma_wait3A_224 = tpu.memref_squeeze %dma_wait3A_223 : memref<1x2x16384xf32, #tpu.memory_space<hbm>> -> memref<2x16384xf32, #tpu.memory_space<hbm>>
    tpu.wait_dma2 semaphore(%arg5 : memref<!tpu.dma_semaphore, #tpu.memory_space<semaphore_mem>>) src(%arg4 : memref<2x16384xf32, #tpu.memory_space<vmem>>) dst(%dma_wait3A_224 : memref<2x16384xf32, #tpu.memory_space<hbm>>)
    return
  }
}

</mosaic_0001>

<sc_bundles>
// kernel: kernel.3.cloned.1.call-start
scs
__scs_entry_jumppad:
0x0: {  	(pc) =	sbr.rel $0x88, $3  }
0x1: {  	(tag) =	ssettag $0x0;
	lr =	simm.s32 $0x1  }
0x2: {  	[smem:$0x3FA0] =	sst lr;
	_ =	strace $0xD0000000  }
0x3: {  	_ = 	snop  }
0x4: {  	_ = 	snop  }
0x5: {  	_ = 	snop  }
0x6: {  	_ = 	snop  }
0x7: {  	_ = 	snop  }
__scs_overlays_trampoline_lowered:
0x8: {  	[smem:$0x3FAF] =	sst s0  }
0x9: {  	[smem:$0x3FB0] =	sst s1  }
0xa: {  	[smem:$0x3FB1] =	sst s2  }
0xb: {  	[smem:$0x3FB2] =	sst s3  }
0xc: {  	[smem:$0x3FB3] =	sst s4  }
0xd: {  	[smem:$0x3FB4] =	sst s5  }
0xe: {  	[smem:$0x3FB5] =	sst s6  }
0xf: {  	[smem:$0x3FB6] =	sst s7  }
0x10: {  	[smem:$0x3FB7] =	sst s8  }
0x11: {  	[smem:$0x3FB8] =	sst s9;
	s0 =	simm.s32 @!p0 $0x0  }
0x12: {  	s1 =	sld [smem:$0x3F9E];
	s0 =	simm.s32 @p0 $0x1  }
0x13: {  	[smem:$0x3FB9] =	sst s0;
	s0 =	simm.s32 @!p1 $0x0  }
0x14: {  	s2 =	sld [smem:$0x3F9D];
	s0 =	simm.s32 @p1 $0x1  }
0x15: {  	[smem:$0x3FBA] =	sst s0;
	s0 =	simm.s32 @!p2 $0x0  }
0x16: {  	s3 =	sld [smem:$0x3FDB];
	s0 =	simm.s32 @p2 $0x1  }
0x17: {  	s4 =	simm.s32 $0x1BF5;
	[smem:$0x3FBC] =	sst s0  }
0x18: {  	s0 =	sld [smem:$0x3F9F];
	_ =	swait.ge [sflag:s4], $0x0  }
0x19: {  	s7 =	sld [smem:$0x3FA0]  }
0x1a: {  	s8 =	sadd.s32 $0xFFFFE003, lr  }
0x1b: {  	s9 =	sadd.s32 $0xFFFFFEF7, lr;
	s5 =	simm.s32 $0xFFFFFFFF;
	p2 =	slt.u32 s8, $0xFFFFF086  }
0x1c: {  	p1 =	slt.u32 s9, $0xF7A;
	s5 =	simm.s32 @!p2 $0x0  }
0x1d: {  	s5 =	simm.s32 @p1 $0x1;
	p0 =	seq.s32 s7, s2  }
0x1e: {  	s7 =	smul.u32 @!p0 $0xF7A, s2;
	p2 =	seq.s32 @!p0 s5, $0x0  }
0x1f: {  	s9 =	smul.u32 $0xF7A, s1;
	s8 =	simm.s32 @!p0 $0x1BF5;
	p2 =	por !p2, p0  }
0x20: {  	[sflag:s8] =	ssyncset.s32 @!p0 $0xFFFFF086;
	s6 =	sadd.s32 @!p0 s3, s7;
	s7 =	simm.s32 @!p0 $0x108  }
0x21: {  	s3 =	sadd.s32 s3, s9;
	s6 =	sadd.s32 @!p0 $0x88, s6;
	s7 =	simm.s32 @p2 $0x1082  }
0x22: {  	[simem:s7], [sflag:s8] =	dma.local @!p0 [hbm:s6], $0xF7A  }
0x23: {  	s9 =	sor.u32 $0xD0000000, s2;
	s6 =	simm.s32 $0x108;
	_ =	swait.ge @!p0 [sflag:s8], $0x0  }
0x24: {  	s3 =	sadd.s32 $0x88, s3;
	s6 =	simm.s32 @!p1 $0x1082;
	[sflag:s4] =	ssyncset.s32 $0xFFFFF086  }
0x25: {  	[simem:s6], [sflag:s4] =	dma.local [hbm:s3], $0xF7A  }
0x26: {  	[smem:$0x3FA0] =	sst s1;
	(tag) =	ssettag s2;
	_ =	strace s9  }
0x27: {  	s1 =	sld [smem:$0x3FB0]  }
0x28: {  	s2 =	sld [smem:$0x3FB1]  }
0x29: {  	s4 =	sld [smem:$0x3FB3]  }
0x2a: {  	p0 =	seq.s32 s5, $0x0;
	s5 =	sld [smem:$0x3FB4]  }
0x2b: {  	s6 =	sld [smem:$0x3FB5]  }
0x2c: {  	s7 =	sld [smem:$0x3FB6]  }
0x2d: {  	s3 =	simm.s32 $0x108;
	s8 =	sld [smem:$0x3FB7]  }
0x2e: {  	s3 =	simm.s32 @!p0 $0x1082;
	s9 =	sld [smem:$0x3FB8]  }
0x2f: {  	lr =	sadd.s32 s0, s3;
	s0 =	sld [smem:$0x3FAF]  }
0x30: {  	s3 =	sld [smem:$0x3FB2]  }
0x31: {  	[smem:$0x3FBB] =	sst s10  }
0x32: {  	s10 =	sld [smem:$0x3FB9];
	_ =	sdelay $0x3  }
0x33: {  	p0 =	seq.s32 s10, $0x1;
	s10 =	sld [smem:$0x3FBB];
	_ =	sdelay $0x3  }
0x34: {  	[smem:$0x3FBB] =	sst s10  }
0x35: {  	s10 =	sld [smem:$0x3FBA];
	_ =	sdelay $0x3  }
0x36: {  	p1 =	seq.s32 s10, $0x1;
	s10 =	sld [smem:$0x3FBB];
	_ =	sdelay $0x3  }
0x37: {  	[smem:$0x3FBB] =	sst s10  }
0x38: {  	s10 =	sld [smem:$0x3FBC]  }
0x39: {  	_ = 	snop;
	(pc) =	sbr.ind lr, $3  }
0x3a: {  	_ = 	snop  }
0x3b: {  	_ = 	snop  }
0x3c: {  	p2 =	seq.s32 s10, $0x1;
	s10 =	sld [smem:$0x3FBB]  }
0x3d: {  	_ =	shalt  }
0x3e: {  	_ =	shalt  }
0x3f: {  	_ =	shalt  }
0x40: {  	_ =	shalt  }
0x41: {  	_ =	shalt  }
0x42: {  	_ =	shalt  }
0x43: {  	_ =	shalt  }
0x44: {  	_ =	shalt  }
0x45: {  	_ =	shalt  }
0x46: {  	_ =	shalt  }
0x47: {  	_ =	shalt  }
0x48: {  	_ =	shalt  }
0x49: {  	_ =	shalt  }
0x4a: {  	_ =	shalt  }
0x4b: {  	_ =	shalt  }
0x4c: {  	_ =	shalt  }
0x4d: {  	_ =	shalt  }
0x4e: {  	_ =	shalt  }
0x4f: {  	_ =	shalt  }
0x50: {  	_ =	shalt  }
0x51: {  	_ =	shalt  }
0x52: {  	_ =	shalt  }
0x53: {  	_ =	shalt  }
0x54: {  	_ =	shalt  }
0x55: {  	_ =	shalt  }
0x56: {  	_ =	shalt  }
0x57: {  	_ =	shalt  }
0x58: {  	_ =	shalt  }
0x59: {  	_ =	shalt  }
0x5a: {  	_ =	shalt  }
0x5b: {  	_ =	shalt  }
0x5c: {  	_ =	shalt  }
0x5d: {  	_ =	shalt  }
0x5e: {  	_ =	shalt  }
0x5f: {  	_ =	shalt  }
0x60: {  	_ =	shalt  }
0x61: {  	_ =	shalt  }
0x62: {  	_ =	shalt  }
0x63: {  	_ =	shalt  }
0x64: {  	_ =	shalt  }
0x65: {  	_ =	shalt  }
0x66: {  	_ =	shalt  }
0x67: {  	_ =	shalt  }
0x68: {  	_ =	shalt  }
0x69: {  	_ =	shalt  }
0x6a: {  	_ =	shalt  }
0x6b: {  	_ =	shalt  }
0x6c: {  	_ =	shalt  }
0x6d: {  	_ =	shalt  }
0x6e: {  	_ =	shalt  }
0x6f: {  	_ =	shalt  }
0x70: {  	_ =	shalt  }
0x71: {  	_ =	shalt  }
0x72: {  	_ =	shalt  }
0x73: {  	_ =	shalt  }
0x74: {  	_ =	shalt  }
0x75: {  	_ =	shalt  }
0x76: {  	_ =	shalt  }
0x77: {  	_ =	shalt  }
0x78: {  	_ =	shalt  }
0x79: {  	_ =	shalt  }
0x7a: {  	_ =	shalt  }
0x7b: {  	_ =	shalt  }
0x7c: {  	_ =	shalt  }
0x7d: {  	_ =	shalt  }
0x7e: {  	_ =	shalt  }
0x7f: {  	_ =	shalt  }
0x80: {  	_ =	shalt  }
0x81: {  	_ =	shalt  }
0x82: {  	_ =	shalt  }
0x83: {  	_ =	shalt  }
0x84: {  	_ =	shalt  }
0x85: {  	_ =	shalt  }
0x86: {  	_ =	shalt  }
0x87: {  	_ =	shalt  }
.Lfunc_end0:
.L_simem_size_0:
called_computation_lowered:
.L_overlay_start_0:
0x88: {  	s2 =	sld [smem:$0x3FD9]  }
0x89: {  	s3 =	sld [smem:$0x3FFE];
	_ =	sdelay $0x1  }
0x8a: {  	s1 =	srdreg.scid  }
0x8b: {  	s0 =	sand.u32 $0x1, s1  }
0x8c: {  	s18 =	sshll.u32 s0, $0xA;
	s2 =	sadd.s32 s3, s2  }
0x8d: {  	s2 =	sadd.s32 s2, s18  }
0x8e: {  	[smem:$0x3FC7] =	sst s2  }
0x8f: {  	_ = 	snop  }
0x90: {  	s2 =	sld [smem:$0x3FC9]  }
0x91: {  	s19 =	sld [smem:$0x3FD0];
	(tm) =	ssettm $0x1  }
0x92: {  	s4 =	sld [smem:$0x3FFB];
	_ =	sdelay $0x3  }
0x93: {  	_ =	strace s4  }
0x94: {  	s4 =	sld [smem:$0x3FFC];
	_ =	sdelay $0x3  }
0x95: {  	_ =	strace s4  }
0x96: {  	s4 =	sld [smem:$0x3FFD];
	_ =	sdelay $0x3  }
0x97: {  	_ =	strace s4  }
0x98: {  	_ =	strace $0x8FFFFFFF  }
0x99: {  	s20 =	sld [smem:$0x3FDB];
	_ =	sdelay $0x1  }
0x9a: {  	s5 =	simm.s32 $_scs_section_size  }
0x9b: {  	s6 =	simm.s32 $_size__tile_overlayer_lowered;
	s7 =	simm.s32 $_tile_overlayer_lowered  }
0x9c: {  	s23 =	simm.s32 $0x1BFF;
	s22 =	sshll.u32 s7, $0x1;
	s4 =	sadd.s32 s5, s20  }
0x9d: {  	s8 =	simm.s32 $0x0;
	s21 =	sshll.u32 s6, $0x1;
	s6 =	sadd.s32 s22, s4  }
0x9e: {  	[timem:s8], [sflag:s23] =	dma.local [hbm:s6], s21  }
0x9f: {  	_ =	swait.ge [sflag:s23], s21  }
0xa0: {  	s5 =	ssub.s32 $0x0, s21;
	[sflag:s23] =	ssyncset.done $0x0  }
0xa1: {  	[sflag:s23] =	ssyncadd.s32 s5;
	_ =	sdelay $0x1  }
0xa2: {  	s24 =	simm.s32 $0x1B8B  }
0xa3: {  	_ =	swait.ge [sflag:s24], $0x1  }
0xa4: {  	[sflag:s24] =	ssyncset.done $0x0  }
0xa5: {  	s25 =	simm.s32 $0x1B8E;
	[sflag:s24] =	ssyncadd.s32 $0xFFFFFFFF  }
0xa6: {  	s26 =	simm.s32 $execute0_lowered;
	[smem:$0x3FD2] =	sst s25  }
0xa7: {  	s5 =	sshll.u32 s26, $0x1;
	_ =	strace $0x80000046;
	[dreg:$0x1] =	wrdreg $0xFFFFFFFF  }
0xa8: {  	s28 =	simm.s32 $_size_execute0_lowered;
	s4 =	sadd.s32 s4, s5;
	[dreg:$0x0] =	wrdreg $0x0  }
0xa9: {  	s5 =	sshll.u32 s28, $0x1;
	[dreg:$0x2] =	wrdreg s4  }
0xaa: {  	[dreg:$0x3] =	wrdreg s5  }
0xab: {  	[dreg:$0x4] =	wrdreg $0xC0  }
0xac: {  	_ =	task [dreg:s8], $0x5FFFF  }
0xad: {  	[dreg:$0x1] =	wrdreg $0xFFFFFFFF  }
0xae: {  	[dreg:$0x0] =	wrdreg $0x60  }
0xaf: {  	[dreg:$0x2] =	wrdreg s2  }
0xb0: {  	[dreg:$0x3] =	wrdreg s19  }
0xb1: {  	[dreg:$0x4] =	wrdreg $0x9  }
0xb2: {  	_ =	task.clear_ibuf [dreg:s8], $0x5FFFF;
	_ =	strace $0x90000046  }
0xb3: {  	s29 =	simm.s32 $0x9;
	_ =	strace $0x80000048  }
0xb4: {  	_ =	swait.ge [sflag:s29], $0x1  }
0xb5: {  	[sflag:s29] =	ssyncadd.s32 $0xFFFFFFFF  }
0xb6: {  	_ =	strace $0x90000048  }
0xb7: {  	_ =	sfence  }
0xb8: {  	s30 =	sld [smem:$0x0];
	_ =	sdelay $0x2  }
0xb9: {  	s31 =	sshll.u32 s1, $0xD;
	s1 =	sshrl.u32 s1, $0x2  }
0xba: {  	s3 =	sand.u32 $0x4000, s31;
	s1 =	sadd.s32 s1, s30  }
0xbb: {  	s0 =	sor.u32 s3, s0;
	s1 =	sshll.u32 s1, $0x11  }
0xbc: {  	s0 =	sor.u32 s1, s0  }
0xbd: {  	s0 =	sadd.s32 $0x8F2B, s0  }
0xbe: {  	[sflag:s0] =	ssyncadd.remote.s32 $0x1  }
0xbf: {  	_ =	sfence.sel $0xFFFF  }
0xc0: {  	[dreg:$0x0] =	wrdreg $0xFFFFFFFF;
	(pc) =	sbr.abs _section_cstart, $3  }
0xc1: {  	[dreg:$0x1] =	wrdreg $0xFFFFFFFF  }
0xc2: {  	_ =	task.clear_ibuf [dreg:s8], $0x2FFFF;
	_ =	strace $0x9FFFFFFF  }
0xc3: {  	(tm) =	ssettm $0x7FFFFFFF  }
tec
execute0_lowered:
.L_overlay_start_1:
0x0: {  	(tag) =	ssettag $0x1  }
0x1: {  	s3 =	rddreg [dreg:$0x0]  }
0x2: {  	s7 =	rddreg [dreg:$0x1];
	s2 =	srdreg.scid  }
0x3: {  	s1 =	stileid.u32;
	s0 =	rddreg [dreg:$0x2]  }
0x4: {  	s24 =	sand.u32 $0x1, s2;
	s31 =	sshll.u32 s1, $0x6;
	s5 =	sshll.u32 s1, $0xD  }
0x5: {  	s2 =	simm.s32 $0x0;
	s4 =	sshll.u32 s24, $0x5;
	s6 =	sand.u32 $0x40, s31  }
0x6: {  	s5 =	sand.u32 $0x1C000, s5;
	[smem:$0x7FF] =	sst s2;
	s4 =	sor.u32 s4, s6  }
0x7: {  	_ =	strace $0x80000047;
	s6 =	simm.s32 $0x2;
	s8 =	sor.u32 s5, s4  }
0x8: {  	s4 =	simm.s32 $0x100;
	s5 =	simm.s32 $0x400;
	s3 =	sadd.s32 s3, s8  }
0x9: {  	[tilespmem:s2], [sflag:$0x2] =	stream.strided.gather [hbm4b:s3+s4], $0x8000, s5, s4, $0x38;
	[tilespmem:$0x8000] =	vst v63  }
0xa: {  	_ =	swait.ge [sflag:s6], $0x8000  }
0xb: {  	[sflag:s6] =	ssyncset.done $0x0  }
0xc: {  	s7 =	sadd.s32 s7, s8;
	[sflag:s6] =	ssyncadd.s32 $0xFFFF8000  }
0xd: {  	[hbm4b:s7+s4] =	stream.strided.scatter [tilespmem:s2], [sflag:$0x1], $0x8000, s5, s4, $0x38;
	[tilespmem:$0x8000] =	vst v63  }
0xe: {  	s8 =	sadd.s32 $0x20000, s7  }
0xf: {  	[hbm4b:s8+s4] =	stream.strided.scatter [tilespmem:s2], [sflag:$0x1], $0x8000, s5, s4, $0x38;
	[tilespmem:$0x8000] =	vst v63  }
0x10: {  	s9 =	sadd.s32 $0x40000, s7  }
0x11: {  	[hbm4b:s9+s4] =	stream.strided.scatter [tilespmem:s2], [sflag:$0x1], $0x8000, s5, s4, $0x38;
	[tilespmem:$0x8000] =	vst v63  }
0x12: {  	s10 =	sadd.s32 $0x60000, s7  }
0x13: {  	[hbm4b:s10+s4] =	stream.strided.scatter [tilespmem:s2], [sflag:$0x1], $0x8000, s5, s4, $0x38;
	[tilespmem:$0x8000] =	vst v63  }
0x14: {  	s11 =	sadd.s32 $0x80000, s7  }
0x15: {  	[hbm4b:s11+s4] =	stream.strided.scatter [tilespmem:s2], [sflag:$0x1], $0x8000, s5, s4, $0x38;
	[tilespmem:$0x8000] =	vst v63  }
0x16: {  	s12 =	sadd.s32 $0xA0000, s7  }
0x17: {  	[hbm4b:s12+s4] =	stream.strided.scatter [tilespmem:s2], [sflag:$0x1], $0x8000, s5, s4, $0x38;
	[tilespmem:$0x8000] =	vst v63  }
0x18: {  	s13 =	sadd.s32 $0xC0000, s7  }
0x19: {  	[hbm4b:s13+s4] =	stream.strided.scatter [tilespmem:s2], [sflag:$0x1], $0x8000, s5, s4, $0x38;
	[tilespmem:$0x8000] =	vst v63  }
0x1a: {  	s14 =	sadd.s32 $0xE0000, s7  }
0x1b: {  	[hbm4b:s14+s4] =	stream.strided.scatter [tilespmem:s2], [sflag:$0x1], $0x8000, s5, s4, $0x38;
	[tilespmem:$0x8000] =	vst v63  }
0x1c: {  	s15 =	sadd.s32 $0x100000, s7  }
0x1d: {  	[hbm4b:s15+s4] =	stream.strided.scatter [tilespmem:s2], [sflag:$0x1], $0x8000, s5, s4, $0x38;
	[tilespmem:$0x8000] =	vst v63  }
0x1e: {  	s16 =	sadd.s32 $0x120000, s7  }
0x1f: {  	[hbm4b:s16+s4] =	stream.strided.scatter [tilespmem:s2], [sflag:$0x1], $0x8000, s5, s4, $0x38;
	[tilespmem:$0x8000] =	vst v63  }
0x20: {  	s17 =	sadd.s32 $0x140000, s7  }
0x21: {  	[hbm4b:s17+s4] =	stream.strided.scatter [tilespmem:s2], [sflag:$0x1], $0x8000, s5, s4, $0x38;
	[tilespmem:$0x8000] =	vst v63  }
0x22: {  	s18 =	sadd.s32 $0x160000, s7  }
0x23: {  	[hbm4b:s18+s4] =	stream.strided.scatter [tilespmem:s2], [sflag:$0x1], $0x8000, s5, s4, $0x38;
	[tilespmem:$0x8000] =	vst v63  }
0x24: {  	s19 =	sadd.s32 $0x180000, s7  }
0x25: {  	[hbm4b:s19+s4] =	stream.strided.scatter [tilespmem:s2], [sflag:$0x1], $0x8000, s5, s4, $0x38;
	[tilespmem:$0x8000] =	vst v63  }
0x26: {  	s20 =	sadd.s32 $0x1A0000, s7  }
0x27: {  	[hbm4b:s20+s4] =	stream.strided.scatter [tilespmem:s2], [sflag:$0x1], $0x8000, s5, s4, $0x38;
	[tilespmem:$0x8000] =	vst v63  }
0x28: {  	s21 =	sadd.s32 $0x1C0000, s7  }
0x29: {  	[hbm4b:s21+s4] =	stream.strided.scatter [tilespmem:s2], [sflag:$0x1], $0x8000, s5, s4, $0x38;
	[tilespmem:$0x8000] =	vst v63  }
0x2a: {  	s22 =	simm.s32 $0x1;
	s23 =	sadd.s32 $0x1E0000, s7  }
0x2b: {  	[hbm4b:s23+s4] =	stream.strided.scatter [tilespmem:s2], [sflag:$0x1], $0x8000, s5, s4, $0x38;
	[tilespmem:$0x8000] =	vst v63  }
0x2c: {  	_ =	swait.ge [sflag:s22], $0x8000  }
0x2d: {  	[sflag:s22] =	ssyncset.done $0x0  }
0x2e: {  	[sflag:s22] =	ssyncadd.s32 $0xFFFF8000  }
0x2f: {  	_ =	swait.ge [sflag:s22], $0x8000  }
0x30: {  	[sflag:s22] =	ssyncset.done $0x0  }
0x31: {  	[sflag:s22] =	ssyncadd.s32 $0xFFFF8000  }
0x32: {  	_ =	swait.ge [sflag:s22], $0x8000  }
0x33: {  	[sflag:s22] =	ssyncset.done $0x0  }
0x34: {  	[sflag:s22] =	ssyncadd.s32 $0xFFFF8000  }
0x35: {  	_ =	swait.ge [sflag:s22], $0x8000  }
0x36: {  	[sflag:s22] =	ssyncset.done $0x0  }
0x37: {  	[sflag:s22] =	ssyncadd.s32 $0xFFFF8000  }
0x38: {  	_ =	swait.ge [sflag:s22], $0x8000  }
0x39: {  	[sflag:s22] =	ssyncset.done $0x0  }
0x3a: {  	[sflag:s22] =	ssyncadd.s32 $0xFFFF8000  }
0x3b: {  	_ =	swait.ge [sflag:s22], $0x8000  }
0x3c: {  	[sflag:s22] =	ssyncset.done $0x0  }
0x3d: {  	[sflag:s22] =	ssyncadd.s32 $0xFFFF8000  }
0x3e: {  	_ =	swait.ge [sflag:s22], $0x8000  }
0x3f: {  	[sflag:s22] =	ssyncset.done $0x0  }
0x40: {  	[sflag:s22] =	ssyncadd.s32 $0xFFFF8000  }
0x41: {  	_ =	swait.ge [sflag:s22], $0x8000  }
0x42: {  	[sflag:s22] =	ssyncset.done $0x0  }
0x43: {  	[sflag:s22] =	ssyncadd.s32 $0xFFFF8000  }
0x44: {  	_ =	swait.ge [sflag:s22], $0x8000  }
0x45: {  	[sflag:s22] =	ssyncset.done $0x0  }
0x46: {  	[sflag:s22] =	ssyncadd.s32 $0xFFFF8000  }
0x47: {  	_ =	swait.ge [sflag:s22], $0x8000  }
0x48: {  	[sflag:s22] =	ssyncset.done $0x0  }
0x49: {  	[sflag:s22] =	ssyncadd.s32 $0xFFFF8000  }
0x4a: {  	_ =	swait.ge [sflag:s22], $0x8000  }
0x4b: {  	[sflag:s22] =	ssyncset.done $0x0  }
0x4c: {  	[sflag:s22] =	ssyncadd.s32 $0xFFFF8000  }
0x4d: {  	_ =	swait.ge [sflag:s22], $0x8000  }
0x4e: {  	[sflag:s22] =	ssyncset.done $0x0  }
0x4f: {  	[sflag:s22] =	ssyncadd.s32 $0xFFFF8000  }
0x50: {  	_ =	swait.ge [sflag:s22], $0x8000  }
0x51: {  	s24 =	ssub.s32 $0x2, s24;
	[sflag:s22] =	ssyncset.done $0x0  }
0x52: {  	s25 =	sshrl.u32 s24, $0x1;
	[sflag:s22] =	ssyncadd.s32 $0xFFFF8000  }
0x53: {  	s24 =	ssub.s32 s24, s25;
	_ =	swait.ge [sflag:s22], $0x8000  }
0x54: {  	s24 =	smax.u32 s24, $0x1;
	[sflag:s22] =	ssyncset.done $0x0  }
0x55: {  	p0 =	sne.s32 s24, $0x1;
	[sflag:s22] =	ssyncadd.s32 $0xFFFF8000  }
.Ltmp0:
0x56: {  	_ =	swait.ge [sflag:s22], $0x8000;
	(pc) =	sbr.rel @!p0 .LBB2_2-.Ltmp0, $4  }
0x57: {  	[sflag:s22] =	ssyncset.done $0x0  }
0x58: {  	[sflag:s22] =	ssyncadd.s32 $0xFFFF8000  }
0x59: {  	_ =	swait.ge [sflag:s22], $0x8000  }
0x5a: {  	s24 =	sadd.s32 $0xFFFFFFFF, s24;
	[sflag:s22] =	ssyncset.done $0x0  }
.LBB2_1:
0x5b: {  	p0 =	sne.s32 s24, $0x1;
	s24 =	sadd.s32 $0xFFFFFFFF, s24;
	[sflag:s22] =	ssyncadd.s32 $0xFFFF8000  }
0x5c: {  	[tilespmem:s2], [sflag:$0x2] =	stream.strided.gather [hbm4b:s3+s4], $0x8000, s5, s4, $0x38;
	[tilespmem:$0x8000] =	vst v63  }
0x5d: {  	_ =	swait.ge [sflag:s6], $0x8000  }
0x5e: {  	[sflag:s6] =	ssyncset.done $0x0  }
0x5f: {  	[sflag:s6] =	ssyncadd.s32 $0xFFFF8000  }
0x60: {  	[hbm4b:s7+s4] =	stream.strided.scatter [tilespmem:s2], [sflag:$0x1], $0x8000, s5, s4, $0x38;
	[tilespmem:$0x8000] =	vst v63  }
0x61: {  	_ = 	snop  }
0x62: {  	[hbm4b:s8+s4] =	stream.strided.scatter [tilespmem:s2], [sflag:$0x1], $0x8000, s5, s4, $0x38;
	[tilespmem:$0x8000] =	vst v63  }
0x63: {  	_ = 	snop  }
0x64: {  	[hbm4b:s9+s4] =	stream.strided.scatter [tilespmem:s2], [sflag:$0x1], $0x8000, s5, s4, $0x38;
	[tilespmem:$0x8000] =	vst v63  }
0x65: {  	_ = 	snop  }
0x66: {  	[hbm4b:s10+s4] =	stream.strided.scatter [tilespmem:s2], [sflag:$0x1], $0x8000, s5, s4, $0x38;
	[tilespmem:$0x8000] =	vst v63  }
0x67: {  	_ = 	snop  }
0x68: {  	[hbm4b:s11+s4] =	stream.strided.scatter [tilespmem:s2], [sflag:$0x1], $0x8000, s5, s4, $0x38;
	[tilespmem:$0x8000] =	vst v63  }
0x69: {  	_ = 	snop  }
0x6a: {  	[hbm4b:s12+s4] =	stream.strided.scatter [tilespmem:s2], [sflag:$0x1], $0x8000, s5, s4, $0x38;
	[tilespmem:$0x8000] =	vst v63  }
0x6b: {  	_ = 	snop  }
0x6c: {  	[hbm4b:s13+s4] =	stream.strided.scatter [tilespmem:s2], [sflag:$0x1], $0x8000, s5, s4, $0x38;
	[tilespmem:$0x8000] =	vst v63  }
0x6d: {  	_ = 	snop  }
0x6e: {  	[hbm4b:s14+s4] =	stream.strided.scatter [tilespmem:s2], [sflag:$0x1], $0x8000, s5, s4, $0x38;
	[tilespmem:$0x8000] =	vst v63  }
0x6f: {  	_ = 	snop  }
0x70: {  	[hbm4b:s15+s4] =	stream.strided.scatter [tilespmem:s2], [sflag:$0x1], $0x8000, s5, s4, $0x38;
	[tilespmem:$0x8000] =	vst v63  }
0x71: {  	_ = 	snop  }
0x72: {  	[hbm4b:s16+s4] =	stream.strided.scatter [tilespmem:s2], [sflag:$0x1], $0x8000, s5, s4, $0x38;
	[tilespmem:$0x8000] =	vst v63  }
0x73: {  	_ = 	snop  }
0x74: {  	[hbm4b:s17+s4] =	stream.strided.scatter [tilespmem:s2], [sflag:$0x1], $0x8000, s5, s4, $0x38;
	[tilespmem:$0x8000] =	vst v63  }
0x75: {  	_ = 	snop  }
0x76: {  	[hbm4b:s18+s4] =	stream.strided.scatter [tilespmem:s2], [sflag:$0x1], $0x8000, s5, s4, $0x38;
	[tilespmem:$0x8000] =	vst v63  }
0x77: {  	_ = 	snop  }
0x78: {  	[hbm4b:s19+s4] =	stream.strided.scatter [tilespmem:s2], [sflag:$0x1], $0x8000, s5, s4, $0x38;
	[tilespmem:$0x8000] =	vst v63  }
0x79: {  	_ = 	snop  }
0x7a: {  	[hbm4b:s20+s4] =	stream.strided.scatter [tilespmem:s2], [sflag:$0x1], $0x8000, s5, s4, $0x38;
	[tilespmem:$0x8000] =	vst v63  }
0x7b: {  	_ = 	snop  }
0x7c: {  	[hbm4b:s21+s4] =	stream.strided.scatter [tilespmem:s2], [sflag:$0x1], $0x8000, s5, s4, $0x38;
	[tilespmem:$0x8000] =	vst v63  }
0x7d: {  	_ = 	snop  }
0x7e: {  	[hbm4b:s23+s4] =	stream.strided.scatter [tilespmem:s2], [sflag:$0x1], $0x8000, s5, s4, $0x38;
	[tilespmem:$0x8000] =	vst v63  }
0x7f: {  	_ =	swait.ge [sflag:s22], $0x8000  }
0x80: {  	[sflag:s22] =	ssyncset.done $0x0  }
0x81: {  	[sflag:s22] =	ssyncadd.s32 $0xFFFF8000  }
0x82: {  	_ =	swait.ge [sflag:s22], $0x8000  }
0x83: {  	[sflag:s22] =	ssyncset.done $0x0  }
0x84: {  	[sflag:s22] =	ssyncadd.s32 $0xFFFF8000  }
0x85: {  	_ =	swait.ge [sflag:s22], $0x8000  }
0x86: {  	[sflag:s22] =	ssyncset.done $0x0  }
0x87: {  	[sflag:s22] =	ssyncadd.s32 $0xFFFF8000  }
0x88: {  	_ =	swait.ge [sflag:s22], $0x8000  }
0x89: {  	[sflag:s22] =	ssyncset.done $0x0  }
0x8a: {  	[sflag:s22] =	ssyncadd.s32 $0xFFFF8000  }
0x8b: {  	_ =	swait.ge [sflag:s22], $0x8000  }
0x8c: {  	[sflag:s22] =	ssyncset.done $0x0  }
0x8d: {  	[sflag:s22] =	ssyncadd.s32 $0xFFFF8000  }
0x8e: {  	_ =	swait.ge [sflag:s22], $0x8000  }
0x8f: {  	[sflag:s22] =	ssyncset.done $0x0  }
0x90: {  	[sflag:s22] =	ssyncadd.s32 $0xFFFF8000  }
0x91: {  	_ =	swait.ge [sflag:s22], $0x8000  }
0x92: {  	[sflag:s22] =	ssyncset.done $0x0  }
0x93: {  	[sflag:s22] =	ssyncadd.s32 $0xFFFF8000  }
0x94: {  	_ =	swait.ge [sflag:s22], $0x8000  }
0x95: {  	[sflag:s22] =	ssyncset.done $0x0  }
0x96: {  	[sflag:s22] =	ssyncadd.s32 $0xFFFF8000  }
0x97: {  	_ =	swait.ge [sflag:s22], $0x8000  }
0x98: {  	[sflag:s22] =	ssyncset.done $0x0  }
0x99: {  	[sflag:s22] =	ssyncadd.s32 $0xFFFF8000  }
0x9a: {  	_ =	swait.ge [sflag:s22], $0x8000  }
0x9b: {  	[sflag:s22] =	ssyncset.done $0x0  }
0x9c: {  	[sflag:s22] =	ssyncadd.s32 $0xFFFF8000  }
0x9d: {  	_ =	swait.ge [sflag:s22], $0x8000  }
0x9e: {  	[sflag:s22] =	ssyncset.done $0x0  }
0x9f: {  	[sflag:s22] =	ssyncadd.s32 $0xFFFF8000  }
0xa0: {  	_ =	swait.ge [sflag:s22], $0x8000  }
0xa1: {  	[sflag:s22] =	ssyncset.done $0x0  }
0xa2: {  	[sflag:s22] =	ssyncadd.s32 $0xFFFF8000  }
0xa3: {  	_ =	swait.ge [sflag:s22], $0x8000  }
0xa4: {  	[sflag:s22] =	ssyncset.done $0x0  }
0xa5: {  	[sflag:s22] =	ssyncadd.s32 $0xFFFF8000  }
0xa6: {  	_ =	swait.ge [sflag:s22], $0x8000  }
0xa7: {  	[sflag:s22] =	ssyncset.done $0x0  }
0xa8: {  	[sflag:s22] =	ssyncadd.s32 $0xFFFF8000  }
.Ltmp1:
0xa9: {  	_ =	swait.ge [sflag:s22], $0x8000;
	(pc) =	sbr.rel @p0 .LBB2_1-.Ltmp1, $4  }
0xaa: {  	[sflag:s22] =	ssyncset.done $0x0  }
0xab: {  	[sflag:s22] =	ssyncadd.s32 $0xFFFF8000  }
0xac: {  	_ =	swait.ge [sflag:s22], $0x8000  }
0xad: {  	[sflag:s22] =	ssyncset.done $0x0  }
.LBB2_2:
0xae: {  	[sflag:s22] =	ssyncadd.s32 $0xFFFF8000  }
0xaf: {  	_ =	sfence.sel $0x180000  }
0xb0: {  	[bflag:$0x0] =	sbarrier.arrive $0xFFFF  }
0xb1: {  	p0 =	sne.s32 s1, $0x0;
	_ =	strace $0x90000047  }
0xb2: {  	s0 =	sadd.s32 @!p0 $0x100000, s0;
	[bflag:$0x2] =	sbarrier.arrive $0xFFFF  }
0xb3: {  	[sflag:s0] =	ssyncadd.tile.s32 @!p0 $0x1;
	_ =	shalt  }
.Lfunc_end2:
_tile_overlayer_lowered:
.L_overlay_start_2:
0xb4: {  	(tag) =	ssettag $0x2  }
0xb5: {  	s0 =	rddreg [dreg:$0x0];
	s2 =	stileid.u32  }
0xb6: {  	s1 =	rddreg [dreg:$0x1];
	p0 =	sne.s32 s2, $0x0  }
0xb7: {  	s3 =	rddreg [dreg:$0x2];
	[bflag:$0x3] =	sbarrier.arrive $0xFFFF;
	s2 =	simm.s32 @!p0 $0x1C02  }
0xb8: {  	[timem:s3], [sflag:s2] =	dma.local @!p0 [hbm:s0], s1  }
0xb9: {  	s0 =	simm.s32 @!p0 $0x2  }
0xba: {  	_ =	swait.ge @!p0 [sflag:s0], s1  }
0xbb: {  	s1 =	ssub.s32 @!p0 $0x0, s1;
	[sflag:s0] =	ssyncset.done @!p0 $0x0  }
0xbc: {  	[sflag:s0] =	ssyncadd.s32 @!p0 s1  }
0xbd: {  	[bflag:$0x3] =	sbarrier.arrive $0xFFFF  }
0xbe: {  	_ =	shalt  }

</sc_bundles>
